<compile_context>
chip_gen: v7x
topology: tpu7x:2x2x1
jax: 0.10.2.dev20260603
libtpu: 0.0.44.dev20260713+nightly
codegen_flags: <defaults>
</compile_context>

<pallas_src>
import functools

import jax
import jax.numpy as jnp
from jax import lax
from jax.experimental import pallas as pl
from jax.experimental.pallas import tpu as pltpu
from jax.experimental.pallas import tpu_sc as plsc

N_NODES = 10000
N_EDGES = 320000
D_FEAT = 128

NUM_CORES = 2
NUM_SUBCORES = 16
NW = NUM_CORES * NUM_SUBCORES
PER_W = N_EDGES // NW
CHUNK = 128
NFULL = PER_W // CHUNK
TAIL = PER_W - NFULL * CHUNK
NCHUNK = 80
PER_W_PAD = NCHUNK * CHUNK
NFILLER = 8
FILL = 1248
FILL_LAST = N_NODES - (NFILLER - 1) * FILL


def _gather_kernel(idx_hbm, px_hbm, out_hbm, table_sp, idx_v, rows_v,
                   rows_v2, sem, sem2):
    sid = lax.axis_index("s")
    wid = sid * NUM_CORES + lax.axis_index("c")
    base = wid * PER_W

    @pl.when(sid < NFILLER - 1)
    def _fill():
        pltpu.sync_copy(px_hbm.at[pl.ds(sid * FILL, FILL)],
                        table_sp.at[pl.ds(sid * FILL, FILL)])

    @pl.when(sid == NFILLER - 1)
    def _fill_last():
        pltpu.sync_copy(px_hbm.at[pl.ds((NFILLER - 1) * FILL, FILL_LAST)],
                        table_sp.at[pl.ds((NFILLER - 1) * FILL, FILL_LAST)])

    pltpu.sync_copy(idx_hbm.at[pl.ds(base, PER_W)],
                    idx_v.at[pl.ds(0, PER_W)])
    zeros = jnp.zeros((16,), jnp.int32)
    for j in range((PER_W_PAD - PER_W) // 16):
        idx_v[pl.ds(PER_W + 16 * j, 16)] = zeros
    plsc.subcore_barrier()

    rows = (rows_v, rows_v2)
    sems = (sem, sem2)

    def start_gather(i, b):
        pltpu.async_copy(table_sp.at[idx_v.at[pl.ds(i * CHUNK, CHUNK)]],
                         rows[b], sems[b])

    def wait_gather(b):
        pltpu.make_async_copy(table_sp.at[idx_v.at[pl.ds(0, CHUNK)]],
                              rows[b], sems[b]).wait()

    def scatter(i, b):
        @pl.when(i < NFULL)
        def _full():
            pltpu.sync_copy(rows[b],
                            out_hbm.at[pl.ds(base + i * CHUNK, CHUNK)])

        @pl.when(i == NFULL)
        def _tail():
            pltpu.sync_copy(rows[b].at[pl.ds(0, TAIL)],
                            out_hbm.at[pl.ds(base + NFULL * CHUNK, TAIL)])

    start_gather(0, 0)

    def body(p, _):
        i = 2 * p
        start_gather(i + 1, 1)
        wait_gather(0)
        scatter(i, 0)

        @pl.when(i + 2 < NCHUNK)
        def _next():
            start_gather(i + 2, 0)

        wait_gather(1)
        scatter(i + 1, 1)
        return 0

    lax.fori_loop(0, NCHUNK // 2, body, 0)


@jax.jit
def _pix_gather(ind_j, px):
    mesh = plsc.VectorSubcoreMesh(core_axis_name="c", subcore_axis_name="s")
    run = functools.partial(
        pl.kernel,
        mesh=mesh,
        out_type=jax.ShapeDtypeStruct((N_EDGES, D_FEAT), jnp.float32),
        scratch_types=[
            pltpu.VMEM_SHARED((N_NODES, D_FEAT), jnp.float32),
            pltpu.VMEM((PER_W_PAD,), jnp.int32),
            pltpu.VMEM((CHUNK, D_FEAT), jnp.float32),
            pltpu.VMEM((CHUNK, D_FEAT), jnp.float32),
            pltpu.SemaphoreType.DMA,
            pltpu.SemaphoreType.DMA,
        ],
    )(_gather_kernel)
    return run(ind_j, px)


def kernel(ind_2, px):
    return _pix_gather(ind_2[:, 1], px)

# --- scband reference (transcript-rebuilt; emitter-appended) ---
"""Pipeline reference for scband-pixlayer-62156766708087 (READ-ONLY COPY).

The authoritative reference and input builder live on the scoring server;
editing this copy changes nothing except your own understanding.
"""

import jax, jax.numpy as jnp
import numpy as np

N_NODES = 10000
N_EDGES = 320000
D_FEAT = 128

def setup_inputs(seed: int = 0) -> dict:
    key = jax.random.key(seed)
    k1, k2 = jax.random.split(key)
    ind_2 = jax.random.randint(k1, (N_EDGES, 2), 0, N_NODES, dtype=jnp.int64 if jax.config.jax_enable_x64 else jnp.int32).astype(jnp.int32)
    px = jax.random.normal(k2, (N_NODES, D_FEAT), dtype=jnp.float32)
    return {"ind_2": ind_2, "px": px}

def reference(ind_2, px):
    # PIXLayer forward: gather neighbor properties px[ind_j]
    ind_j = ind_2[:, 1]
    px_j = jnp.take(px, ind_j, axis=0)
    return px_j

if __name__ == "__main__":
    import jax
    _d = setup_inputs()
    print(jax.jit(kernel)(*tuple(_d.values())))

</pallas_src>

<mosaic_0001>
#map = affine_map<(d0, d1) -> (0)>
#map1 = affine_map<(d0, d1) -> (0, 0)>
module attributes {stable_mosaic.version = 14 : i64} {
  func.func @_gather_kernel(%arg0: i32, %arg1: i32, %arg2: memref<320000xi32, #tpu.memory_space<hbm>>, %arg3: memref<10000x128xf32, #tpu.memory_space<hbm>>, %arg4: memref<320000x128xf32, #tpu.memory_space<hbm>>, %arg5: memref<10000x128xf32, #tpu.memory_space<vmem_shared>>, %arg6: memref<10240xi32, #tpu.memory_space<vmem>>, %arg7: memref<128x128xf32, #tpu.memory_space<vmem>>, %arg8: memref<128x128xf32, #tpu.memory_space<vmem>>, %arg9: memref<!tpu.dma_semaphore, #tpu.memory_space<semaphore_mem>>, %arg10: memref<!tpu.dma_semaphore, #tpu.memory_space<semaphore_mem>>) attributes {dimension_semantics = [#tpu.dimension_semantics<core_parallel>, #tpu.dimension_semantics<subcore_parallel>], iteration_bounds = array<i64: 2, 16>, scalar_prefetch = 0 : i64, scratch_operands = 6 : i64, tpu.core_type = #tpu.core_type<sc_vector_subcore>, window_params = [{transform_indices = #map}, {transform_indices = #map1}, {transform_indices = #map1}]} {
    %mul3A = arith.constant 2 : i32
    %mul3A_0 = arith.muli %arg1, %mul3A : i32
    %add3A = arith.addi %mul3A_0, %arg0 : i32
    %mul3A_1 = arith.constant 10000 : i32
    %mul3A_2 = arith.muli %add3A, %mul3A_1 : i32
    %lt3A = arith.constant 7 : i32
    %lt3A_3 = arith.cmpi slt, %arg1, %lt3A : i32
    %convert_element_type3A = arith.extui %lt3A_3 : i1 to i32
    %cond3A = arith.constant 0 : i32
    %cond3A_4 = arith.cmpi ne, %convert_element_type3A, %cond3A : i32
    scf.if %cond3A_4 {
      %mul3A_79 = arith.constant 1248 : i32
      %mul3A_80 = arith.muli %arg1, %mul3A_79 : i32
      %mul3A_81 = arith.constant 1248 : i32
      %mul3A_82 = arith.muli %arg1, %mul3A_81 : i32
      "tpu.region"() ({
        %run_scoped3A = tpu.sem_alloc : memref<!tpu.dma_semaphore, #tpu.memory_space<semaphore_mem>>
        %dma_start3A_83 = arith.constant 0 : i32
        %dma_start3A_84 = tpu.memref_slice %arg5[%mul3A_82, %dma_start3A_83] : memref<10000x128xf32, #tpu.memory_space<vmem_shared>> -> memref<1248x128xf32, #tpu.memory_space<vmem_shared>>
        %dma_start3A_85 = arith.constant 0 : i32
        %dma_start3A_86 = tpu.memref_slice %arg3[%mul3A_80, %dma_start3A_85] : memref<10000x128xf32, #tpu.memory_space<hbm>> -> memref<1248x128xf32, #tpu.memory_space<hbm>>
        tpu.enqueue_dma source(%dma_start3A_86 : memref<1248x128xf32, #tpu.memory_space<hbm>>) target(%dma_start3A_84 : memref<1248x128xf32, #tpu.memory_space<vmem_shared>>) target_semaphore(%run_scoped3A : memref<!tpu.dma_semaphore, #tpu.memory_space<semaphore_mem>>)
        %dma_wait3A = arith.constant 0 : i32
        %dma_wait3A_87 = tpu.memref_slice %arg5[%mul3A_82, %dma_wait3A] : memref<10000x128xf32, #tpu.memory_space<vmem_shared>> -> memref<1248x128xf32, #tpu.memory_space<vmem_shared>>
        %dma_wait3A_88 = arith.constant 0 : i32
        %dma_wait3A_89 = tpu.memref_slice %arg3[%mul3A_80, %dma_wait3A_88] : memref<10000x128xf32, #tpu.memory_space<hbm>> -> memref<1248x128xf32, #tpu.memory_space<hbm>>
        tpu.wait_dma2 semaphore(%run_scoped3A : memref<!tpu.dma_semaphore, #tpu.memory_space<semaphore_mem>>) src(%dma_wait3A_89 : memref<1248x128xf32, #tpu.memory_space<hbm>>) dst(%dma_wait3A_87 : memref<1248x128xf32, #tpu.memory_space<vmem_shared>>)
        tpu.yield
      }) : () -> ()
    } else {
    }
    %eq3A = arith.constant 7 : i32
    %eq3A_5 = arith.cmpi eq, %arg1, %eq3A : i32
    %convert_element_type3A_6 = arith.extui %eq3A_5 : i1 to i32
    %cond3A_7 = arith.constant 0 : i32
    %cond3A_8 = arith.cmpi ne, %convert_element_type3A_6, %cond3A_7 : i32
    scf.if %cond3A_8 {
      "tpu.region"() ({
        %run_scoped3A = tpu.sem_alloc : memref<!tpu.dma_semaphore, #tpu.memory_space<semaphore_mem>>
        %dma_start3A_79 = arith.constant 8736 : i32
        %dma_start3A_80 = arith.constant 0 : i32
        %dma_start3A_81 = tpu.memref_slice %arg5[%dma_start3A_79, %dma_start3A_80] : memref<10000x128xf32, #tpu.memory_space<vmem_shared>> -> memref<1264x128xf32, #tpu.memory_space<vmem_shared>>
        %dma_start3A_82 = arith.constant 8736 : i32
        %dma_start3A_83 = arith.constant 0 : i32
        %dma_start3A_84 = tpu.memref_slice %arg3[%dma_start3A_82, %dma_start3A_83] : memref<10000x128xf32, #tpu.memory_space<hbm>> -> memref<1264x128xf32, #tpu.memory_space<hbm>>
        tpu.enqueue_dma source(%dma_start3A_84 : memref<1264x128xf32, #tpu.memory_space<hbm>>) target(%dma_start3A_81 : memref<1264x128xf32, #tpu.memory_space<vmem_shared>>) target_semaphore(%run_scoped3A : memref<!tpu.dma_semaphore, #tpu.memory_space<semaphore_mem>>)
        %dma_wait3A = arith.constant 8736 : i32
        %dma_wait3A_85 = arith.constant 0 : i32
        %dma_wait3A_86 = tpu.memref_slice %arg5[%dma_wait3A, %dma_wait3A_85] : memref<10000x128xf32, #tpu.memory_space<vmem_shared>> -> memref<1264x128xf32, #tpu.memory_space<vmem_shared>>
        %dma_wait3A_87 = arith.constant 8736 : i32
        %dma_wait3A_88 = arith.constant 0 : i32
        %dma_wait3A_89 = tpu.memref_slice %arg3[%dma_wait3A_87, %dma_wait3A_88] : memref<10000x128xf32, #tpu.memory_space<hbm>> -> memref<1264x128xf32, #tpu.memory_space<hbm>>
        tpu.wait_dma2 semaphore(%run_scoped3A : memref<!tpu.dma_semaphore, #tpu.memory_space<semaphore_mem>>) src(%dma_wait3A_89 : memref<1264x128xf32, #tpu.memory_space<hbm>>) dst(%dma_wait3A_86 : memref<1264x128xf32, #tpu.memory_space<vmem_shared>>)
        tpu.yield
      }) : () -> ()
    } else {
    }
    "tpu.region"() ({
      %run_scoped3A = tpu.sem_alloc : memref<!tpu.dma_semaphore, #tpu.memory_space<semaphore_mem>>
      %dma_start3A_79 = arith.constant 0 : i32
      %dma_start3A_80 = tpu.memref_slice %arg6[%dma_start3A_79] : memref<10240xi32, #tpu.memory_space<vmem>> -> memref<10000xi32, #tpu.memory_space<vmem>>
      %dma_start3A_81 = tpu.memref_slice %arg2[%mul3A_2] : memref<320000xi32, #tpu.memory_space<hbm>> -> memref<10000xi32, #tpu.memory_space<hbm>>
      %dma_start3A_82 = arith.constant 0 : i32
      %dma_start3A_83 = tpu.memref_slice %arg6[%dma_start3A_82] : memref<10240xi32, #tpu.memory_space<vmem>> -> memref<10000xi32, #tpu.memory_space<vmem>>
      %dma_start3A_84 = tpu.memref_slice %arg2[%mul3A_2] : memref<320000xi32, #tpu.memory_space<hbm>> -> memref<10000xi32, #tpu.memory_space<hbm>>
      tpu.enqueue_dma source(%dma_start3A_84 : memref<10000xi32, #tpu.memory_space<hbm>>) target(%dma_start3A_83 : memref<10000xi32, #tpu.memory_space<vmem>>) target_semaphore(%run_scoped3A : memref<!tpu.dma_semaphore, #tpu.memory_space<semaphore_mem>>)
      %dma_wait3A = arith.constant 0 : i32
      %dma_wait3A_85 = tpu.memref_slice %arg6[%dma_wait3A] : memref<10240xi32, #tpu.memory_space<vmem>> -> memref<10000xi32, #tpu.memory_space<vmem>>
      %dma_wait3A_86 = tpu.memref_slice %arg2[%mul3A_2] : memref<320000xi32, #tpu.memory_space<hbm>> -> memref<10000xi32, #tpu.memory_space<hbm>>
      %dma_wait3A_87 = arith.constant 0 : i32
      %dma_wait3A_88 = tpu.memref_slice %arg6[%dma_wait3A_87] : memref<10240xi32, #tpu.memory_space<vmem>> -> memref<10000xi32, #tpu.memory_space<vmem>>
      %dma_wait3A_89 = tpu.memref_slice %arg2[%mul3A_2] : memref<320000xi32, #tpu.memory_space<hbm>> -> memref<10000xi32, #tpu.memory_space<hbm>>
      tpu.wait_dma2 semaphore(%run_scoped3A : memref<!tpu.dma_semaphore, #tpu.memory_space<semaphore_mem>>) src(%dma_wait3A_89 : memref<10000xi32, #tpu.memory_space<hbm>>) dst(%dma_wait3A_88 : memref<10000xi32, #tpu.memory_space<vmem>>)
      tpu.yield
    }) : () -> ()
    %broadcast_in_dim3A = arith.constant 0 : i32
    %broadcast_in_dim3A_9 = vector.broadcast %broadcast_in_dim3A : i32 to vector<16xi32>
    %swap3A = arith.constant 10000 : index
    %swap3A_10 = tpu.vector_load %arg6[%swap3A] {strides = array<i32>} : memref<10240xi32, #tpu.memory_space<vmem>>, vector<16xi32>,
    %swap3A_11 = vector.shape_cast %swap3A_10 : vector<16xi32> to vector<16xi32>
    %swap3A_12 = vector.shape_cast %broadcast_in_dim3A_9 : vector<16xi32> to vector<16xi32>
    tpu.vector_store %arg6[%swap3A], %swap3A_12 {strides = array<i32>} : memref<10240xi32, #tpu.memory_space<vmem>>, vector<16xi32>,
    %swap3A_13 = arith.constant 10016 : index
    %swap3A_14 = tpu.vector_load %arg6[%swap3A_13] {strides = array<i32>} : memref<10240xi32, #tpu.memory_space<vmem>>, vector<16xi32>,
    %swap3A_15 = vector.shape_cast %swap3A_14 : vector<16xi32> to vector<16xi32>
    %swap3A_16 = vector.shape_cast %broadcast_in_dim3A_9 : vector<16xi32> to vector<16xi32>
    tpu.vector_store %arg6[%swap3A_13], %swap3A_16 {strides = array<i32>} : memref<10240xi32, #tpu.memory_space<vmem>>, vector<16xi32>,
    %swap3A_17 = arith.constant 10032 : index
    %swap3A_18 = tpu.vector_load %arg6[%swap3A_17] {strides = array<i32>} : memref<10240xi32, #tpu.memory_space<vmem>>, vector<16xi32>,
    %swap3A_19 = vector.shape_cast %swap3A_18 : vector<16xi32> to vector<16xi32>
    %swap3A_20 = vector.shape_cast %broadcast_in_dim3A_9 : vector<16xi32> to vector<16xi32>
    tpu.vector_store %arg6[%swap3A_17], %swap3A_20 {strides = array<i32>} : memref<10240xi32, #tpu.memory_space<vmem>>, vector<16xi32>,
    %swap3A_21 = arith.constant 10048 : index
    %swap3A_22 = tpu.vector_load %arg6[%swap3A_21] {strides = array<i32>} : memref<10240xi32, #tpu.memory_space<vmem>>, vector<16xi32>,
    %swap3A_23 = vector.shape_cast %swap3A_22 : vector<16xi32> to vector<16xi32>
    %swap3A_24 = vector.shape_cast %broadcast_in_dim3A_9 : vector<16xi32> to vector<16xi32>
    tpu.vector_store %arg6[%swap3A_21], %swap3A_24 {strides = array<i32>} : memref<10240xi32, #tpu.memory_space<vmem>>, vector<16xi32>,
    %swap3A_25 = arith.constant 10064 : index
    %swap3A_26 = tpu.vector_load %arg6[%swap3A_25] {strides = array<i32>} : memref<10240xi32, #tpu.memory_space<vmem>>, vector<16xi32>,
    %swap3A_27 = vector.shape_cast %swap3A_26 : vector<16xi32> to vector<16xi32>
    %swap3A_28 = vector.shape_cast %broadcast_in_dim3A_9 : vector<16xi32> to vector<16xi32>
    tpu.vector_store %arg6[%swap3A_25], %swap3A_28 {strides = array<i32>} : memref<10240xi32, #tpu.memory_space<vmem>>, vector<16xi32>,
    %swap3A_29 = arith.constant 10080 : index
    %swap3A_30 = tpu.vector_load %arg6[%swap3A_29] {strides = array<i32>} : memref<10240xi32, #tpu.memory_space<vmem>>, vector<16xi32>,
    %swap3A_31 = vector.shape_cast %swap3A_30 : vector<16xi32> to vector<16xi32>
    %swap3A_32 = vector.shape_cast %broadcast_in_dim3A_9 : vector<16xi32> to vector<16xi32>
    tpu.vector_store %arg6[%swap3A_29], %swap3A_32 {strides = array<i32>} : memref<10240xi32, #tpu.memory_space<vmem>>, vector<16xi32>,
    %swap3A_33 = arith.constant 10096 : index
    %swap3A_34 = tpu.vector_load %arg6[%swap3A_33] {strides = array<i32>} : memref<10240xi32, #tpu.memory_space<vmem>>, vector<16xi32>,
    %swap3A_35 = vector.shape_cast %swap3A_34 : vector<16xi32> to vector<16xi32>
    %swap3A_36 = vector.shape_cast %broadcast_in_dim3A_9 : vector<16xi32> to vector<16xi32>
    tpu.vector_store %arg6[%swap3A_33], %swap3A_36 {strides = array<i32>} : memref<10240xi32, #tpu.memory_space<vmem>>, vector<16xi32>,
    %swap3A_37 = arith.constant 10112 : index
    %swap3A_38 = tpu.vector_load %arg6[%swap3A_37] {strides = array<i32>} : memref<10240xi32, #tpu.memory_space<vmem>>, vector<16xi32>,
    %swap3A_39 = vector.shape_cast %swap3A_38 : vector<16xi32> to vector<16xi32>
    %swap3A_40 = vector.shape_cast %broadcast_in_dim3A_9 : vector<16xi32> to vector<16xi32>
    tpu.vector_store %arg6[%swap3A_37], %swap3A_40 {strides = array<i32>} : memref<10240xi32, #tpu.memory_space<vmem>>, vector<16xi32>,
    %swap3A_41 = arith.constant 10128 : index
    %swap3A_42 = tpu.vector_load %arg6[%swap3A_41] {strides = array<i32>} : memref<10240xi32, #tpu.memory_space<vmem>>, vector<16xi32>,
    %swap3A_43 = vector.shape_cast %swap3A_42 : vector<16xi32> to vector<16xi32>
    %swap3A_44 = vector.shape_cast %broadcast_in_dim3A_9 : vector<16xi32> to vector<16xi32>
    tpu.vector_store %arg6[%swap3A_41], %swap3A_44 {strides = array<i32>} : memref<10240xi32, #tpu.memory_space<vmem>>, vector<16xi32>,
    %swap3A_45 = arith.constant 10144 : index
    %swap3A_46 = tpu.vector_load %arg6[%swap3A_45] {strides = array<i32>} : memref<10240xi32, #tpu.memory_space<vmem>>, vector<16xi32>,
    %swap3A_47 = vector.shape_cast %swap3A_46 : vector<16xi32> to vector<16xi32>
    %swap3A_48 = vector.shape_cast %broadcast_in_dim3A_9 : vector<16xi32> to vector<16xi32>
    tpu.vector_store %arg6[%swap3A_45], %swap3A_48 {strides = array<i32>} : memref<10240xi32, #tpu.memory_space<vmem>>, vector<16xi32>,
    %swap3A_49 = arith.constant 10160 : index
    %swap3A_50 = tpu.vector_load %arg6[%swap3A_49] {strides = array<i32>} : memref<10240xi32, #tpu.memory_space<vmem>>, vector<16xi32>,
    %swap3A_51 = vector.shape_cast %swap3A_50 : vector<16xi32> to vector<16xi32>
    %swap3A_52 = vector.shape_cast %broadcast_in_dim3A_9 : vector<16xi32> to vector<16xi32>
    tpu.vector_store %arg6[%swap3A_49], %swap3A_52 {strides = array<i32>} : memref<10240xi32, #tpu.memory_space<vmem>>, vector<16xi32>,
    %swap3A_53 = arith.constant 10176 : index
    %swap3A_54 = tpu.vector_load %arg6[%swap3A_53] {strides = array<i32>} : memref<10240xi32, #tpu.memory_space<vmem>>, vector<16xi32>,
    %swap3A_55 = vector.shape_cast %swap3A_54 : vector<16xi32> to vector<16xi32>
    %swap3A_56 = vector.shape_cast %broadcast_in_dim3A_9 : vector<16xi32> to vector<16xi32>
    tpu.vector_store %arg6[%swap3A_53], %swap3A_56 {strides = array<i32>} : memref<10240xi32, #tpu.memory_space<vmem>>, vector<16xi32>,
    %swap3A_57 = arith.constant 10192 : index
    %swap3A_58 = tpu.vector_load %arg6[%swap3A_57] {strides = array<i32>} : memref<10240xi32, #tpu.memory_space<vmem>>, vector<16xi32>,
    %swap3A_59 = vector.shape_cast %swap3A_58 : vector<16xi32> to vector<16xi32>
    %swap3A_60 = vector.shape_cast %broadcast_in_dim3A_9 : vector<16xi32> to vector<16xi32>
    tpu.vector_store %arg6[%swap3A_57], %swap3A_60 {strides = array<i32>} : memref<10240xi32, #tpu.memory_space<vmem>>, vector<16xi32>,
    %swap3A_61 = arith.constant 10208 : index
    %swap3A_62 = tpu.vector_load %arg6[%swap3A_61] {strides = array<i32>} : memref<10240xi32, #tpu.memory_space<vmem>>, vector<16xi32>,
    %swap3A_63 = vector.shape_cast %swap3A_62 : vector<16xi32> to vector<16xi32>
    %swap3A_64 = vector.shape_cast %broadcast_in_dim3A_9 : vector<16xi32> to vector<16xi32>
    tpu.vector_store %arg6[%swap3A_61], %swap3A_64 {strides = array<i32>} : memref<10240xi32, #tpu.memory_space<vmem>>, vector<16xi32>,
    %swap3A_65 = arith.constant 10224 : index
    %swap3A_66 = tpu.vector_load %arg6[%swap3A_65] {strides = array<i32>} : memref<10240xi32, #tpu.memory_space<vmem>>, vector<16xi32>,
    %swap3A_67 = vector.shape_cast %swap3A_66 : vector<16xi32> to vector<16xi32>
    %swap3A_68 = vector.shape_cast %broadcast_in_dim3A_9 : vector<16xi32> to vector<16xi32>
    tpu.vector_store %arg6[%swap3A_65], %swap3A_68 {strides = array<i32>} : memref<10240xi32, #tpu.memory_space<vmem>>, vector<16xi32>,
    %barrier3A = arith.constant 0 : index
    tpu.barrier barrier_id(%barrier3A)
    %dma_start3A = arith.constant 0 : i32
    %dma_start3A_69 = tpu.memref_slice %arg6[%dma_start3A] : memref<10240xi32, #tpu.memory_space<vmem>> -> memref<128xi32, #tpu.memory_space<vmem>>
    %dma_start3A_70 = arith.constant 0 : i32
    %dma_start3A_71 = arith.constant 0 : i32
    %dma_start3A_72 = tpu.memref_slice %arg5[%dma_start3A_70, %dma_start3A_71] : memref<10000x128xf32, #tpu.memory_space<vmem_shared>> -> memref<10000x128xf32, #tpu.memory_space<vmem_shared>>
    tpu.enqueue_indirect_dma source(%dma_start3A_72 : memref<10000x128xf32, #tpu.memory_space<vmem_shared>>) target(%arg7 : memref<128x128xf32, #tpu.memory_space<vmem>>) offsets(%dma_start3A_69 : memref<128xi32, #tpu.memory_space<vmem>>) semaphore(%arg9 : memref<!tpu.dma_semaphore, #tpu.memory_space<semaphore_mem>>)
    %scan3A = arith.constant 0 : i32
    %scan3A_73 = arith.constant 0 : i32
    %scan3A_74 = arith.constant 40 : i32
    %scan3A_75 = arith.addi %scan3A_73, %scan3A_74 : i32
    %scan3A_76 = arith.constant 1 : i32
    %scan3A_77 = scf.for %scan3A_79 = %scan3A_73 to %scan3A_75 step %scan3A_76 iter_args(%scan3A_80 = %scan3A) -> (i32)  : i32 {
      %mul3A_81 = arith.constant 2 : i32
      %mul3A_82 = arith.muli %mul3A_81, %scan3A_79 : i32
      %add3A_83 = arith.constant 1 : i32
      %add3A_84 = arith.addi %mul3A_82, %add3A_83 : i32
      %mul3A_85 = arith.constant 128 : i32
      %mul3A_86 = arith.muli %add3A_84, %mul3A_85 : i32
      %dma_start3A_87 = tpu.memref_slice %arg6[%mul3A_86] : memref<10240xi32, #tpu.memory_space<vmem>> -> memref<128xi32, #tpu.memory_space<vmem>>
      %dma_start3A_88 = arith.constant 0 : i32
      %dma_start3A_89 = arith.constant 0 : i32
      %dma_start3A_90 = tpu.memref_slice %arg5[%dma_start3A_88, %dma_start3A_89] : memref<10000x128xf32, #tpu.memory_space<vmem_shared>> -> memref<10000x128xf32, #tpu.memory_space<vmem_shared>>
      tpu.enqueue_indirect_dma source(%dma_start3A_90 : memref<10000x128xf32, #tpu.memory_space<vmem_shared>>) target(%arg8 : memref<128x128xf32, #tpu.memory_space<vmem>>) offsets(%dma_start3A_87 : memref<128xi32, #tpu.memory_space<vmem>>) semaphore(%arg10 : memref<!tpu.dma_semaphore, #tpu.memory_space<semaphore_mem>>)
      %dma_wait3A = arith.constant 0 : i32
      %dma_wait3A_91 = tpu.memref_slice %arg6[%dma_wait3A] : memref<10240xi32, #tpu.memory_space<vmem>> -> memref<128xi32, #tpu.memory_space<vmem>>
      %dma_wait3A_92 = arith.constant 0 : i32
      %dma_wait3A_93 = arith.constant 0 : i32
      %dma_wait3A_94 = tpu.memref_slice %arg5[%dma_wait3A_92, %dma_wait3A_93] : memref<10000x128xf32, #tpu.memory_space<vmem_shared>> -> memref<10000x128xf32, #tpu.memory_space<vmem_shared>>
      tpu.wait_indirect_dma semaphore(%arg9 : memref<!tpu.dma_semaphore, #tpu.memory_space<semaphore_mem>>) src(%dma_wait3A_94 : memref<10000x128xf32, #tpu.memory_space<vmem_shared>>) dst(%arg7 : memref<128x128xf32, #tpu.memory_space<vmem>>)
      %lt3A_95 = arith.constant 78 : i32
      %lt3A_96 = arith.cmpi slt, %mul3A_82, %lt3A_95 : i32
      %convert_element_type3A_97 = arith.extui %lt3A_96 : i1 to i32
      %cond3A_98 = arith.constant 0 : i32
      %cond3A_99 = arith.cmpi ne, %convert_element_type3A_97, %cond3A_98 : i32
      scf.if %cond3A_99 {
        %mul3A_130 = arith.constant 128 : i32
        %mul3A_131 = arith.muli %mul3A_82, %mul3A_130 : i32
        %add3A_132 = arith.addi %mul3A_2, %mul3A_131 : i32
        "tpu.region"() ({
          %run_scoped3A = tpu.sem_alloc : memref<!tpu.dma_semaphore, #tpu.memory_space<semaphore_mem>>
          %dma_start3A_133 = arith.constant 0 : i32
          %dma_start3A_134 = tpu.memref_slice %arg4[%add3A_132, %dma_start3A_133] : memref<320000x128xf32, #tpu.memory_space<hbm>> -> memref<128x128xf32, #tpu.memory_space<hbm>>
          %dma_start3A_135 = arith.constant 0 : i32
          %dma_start3A_136 = tpu.memref_slice %arg4[%add3A_132, %dma_start3A_135] : memref<320000x128xf32, #tpu.memory_space<hbm>> -> memref<128x128xf32, #tpu.memory_space<hbm>>
          tpu.enqueue_dma source(%arg7 : memref<128x128xf32, #tpu.memory_space<vmem>>) target(%dma_start3A_136 : memref<128x128xf32, #tpu.memory_space<hbm>>) target_semaphore(%run_scoped3A : memref<!tpu.dma_semaphore, #tpu.memory_space<semaphore_mem>>)
          %dma_wait3A_137 = arith.constant 0 : i32
          %dma_wait3A_138 = tpu.memref_slice %arg4[%add3A_132, %dma_wait3A_137] : memref<320000x128xf32, #tpu.memory_space<hbm>> -> memref<128x128xf32, #tpu.memory_space<hbm>>
          %dma_wait3A_139 = arith.constant 0 : i32
          %dma_wait3A_140 = tpu.memref_slice %arg4[%add3A_132, %dma_wait3A_139] : memref<320000x128xf32, #tpu.memory_space<hbm>> -> memref<128x128xf32, #tpu.memory_space<hbm>>
          tpu.wait_dma2 semaphore(%run_scoped3A : memref<!tpu.dma_semaphore, #tpu.memory_space<semaphore_mem>>) src(%arg7 : memref<128x128xf32, #tpu.memory_space<vmem>>) dst(%dma_wait3A_140 : memref<128x128xf32, #tpu.memory_space<hbm>>)
          tpu.yield
        }) : () -> ()
      } else {
      }
      %eq3A_100 = arith.constant 78 : i32
      %eq3A_101 = arith.cmpi eq, %mul3A_82, %eq3A_100 : i32
      %convert_element_type3A_102 = arith.extui %eq3A_101 : i1 to i32
      %cond3A_103 = arith.constant 0 : i32
      %cond3A_104 = arith.cmpi ne, %convert_element_type3A_102, %cond3A_103 : i32
      scf.if %cond3A_104 {
        %add3A_130 = arith.constant 9984 : i32
        %add3A_131 = arith.addi %mul3A_2, %add3A_130 : i32
        "tpu.region"() ({
          %run_scoped3A = tpu.sem_alloc : memref<!tpu.dma_semaphore, #tpu.memory_space<semaphore_mem>>
          %dma_start3A_132 = arith.constant 0 : i32
          %dma_start3A_133 = arith.constant 0 : i32
          %dma_start3A_134 = tpu.memref_slice %arg7[%dma_start3A_132, %dma_start3A_133] : memref<128x128xf32, #tpu.memory_space<vmem>> -> memref<16x128xf32, #tpu.memory_space<vmem>>
          %dma_start3A_135 = arith.constant 0 : i32
          %dma_start3A_136 = tpu.memref_slice %arg4[%add3A_131, %dma_start3A_135] : memref<320000x128xf32, #tpu.memory_space<hbm>> -> memref<16x128xf32, #tpu.memory_space<hbm>>
          %dma_start3A_137 = arith.constant 0 : i32
          %dma_start3A_138 = tpu.memref_slice %arg4[%add3A_131, %dma_start3A_137] : memref<320000x128xf32, #tpu.memory_space<hbm>> -> memref<16x128xf32, #tpu.memory_space<hbm>>
          %dma_start3A_139 = arith.constant 0 : i32
          %dma_start3A_140 = arith.constant 0 : i32
          %dma_start3A_141 = tpu.memref_slice %arg7[%dma_start3A_139, %dma_start3A_140] : memref<128x128xf32, #tpu.memory_space<vmem>> -> memref<16x128xf32, #tpu.memory_space<vmem>>
          tpu.enqueue_dma source(%dma_start3A_141 : memref<16x128xf32, #tpu.memory_space<vmem>>) target(%dma_start3A_138 : memref<16x128xf32, #tpu.memory_space<hbm>>) target_semaphore(%run_scoped3A : memref<!tpu.dma_semaphore, #tpu.memory_space<semaphore_mem>>)
          %dma_wait3A_142 = arith.constant 0 : i32
          %dma_wait3A_143 = arith.constant 0 : i32
          %dma_wait3A_144 = tpu.memref_slice %arg7[%dma_wait3A_142, %dma_wait3A_143] : memref<128x128xf32, #tpu.memory_space<vmem>> -> memref<16x128xf32, #tpu.memory_space<vmem>>
          %dma_wait3A_145 = arith.constant 0 : i32
          %dma_wait3A_146 = tpu.memref_slice %arg4[%add3A_131, %dma_wait3A_145] : memref<320000x128xf32, #tpu.memory_space<hbm>> -> memref<16x128xf32, #tpu.memory_space<hbm>>
          %dma_wait3A_147 = arith.constant 0 : i32
          %dma_wait3A_148 = tpu.memref_slice %arg4[%add3A_131, %dma_wait3A_147] : memref<320000x128xf32, #tpu.memory_space<hbm>> -> memref<16x128xf32, #tpu.memory_space<hbm>>
          %dma_wait3A_149 = arith.constant 0 : i32
          %dma_wait3A_150 = arith.constant 0 : i32
          %dma_wait3A_151 = tpu.memref_slice %arg7[%dma_wait3A_149, %dma_wait3A_150] : memref<128x128xf32, #tpu.memory_space<vmem>> -> memref<16x128xf32, #tpu.memory_space<vmem>>
          tpu.wait_dma2 semaphore(%run_scoped3A : memref<!tpu.dma_semaphore, #tpu.memory_space<semaphore_mem>>) src(%dma_wait3A_151 : memref<16x128xf32, #tpu.memory_space<vmem>>) dst(%dma_wait3A_148 : memref<16x128xf32, #tpu.memory_space<hbm>>)
          tpu.yield
        }) : () -> ()
      } else {
      }
      %add3A_105 = arith.constant 2 : i32
      %add3A_106 = arith.addi %mul3A_82, %add3A_105 : i32
      %lt3A_107 = arith.constant 80 : i32
      %lt3A_108 = arith.cmpi slt, %add3A_106, %lt3A_107 : i32
      %convert_element_type3A_109 = arith.extui %lt3A_108 : i1 to i32
      %cond3A_110 = arith.constant 0 : i32
      %cond3A_111 = arith.cmpi ne, %convert_element_type3A_109, %cond3A_110 : i32
      scf.if %cond3A_111 {
        %add3A_130 = arith.constant 2 : i32
        %add3A_131 = arith.addi %mul3A_82, %add3A_130 : i32
        %mul3A_132 = arith.constant 128 : i32
        %mul3A_133 = arith.muli %add3A_131, %mul3A_132 : i32
        %dma_start3A_134 = tpu.memref_slice %arg6[%mul3A_133] : memref<10240xi32, #tpu.memory_space<vmem>> -> memref<128xi32, #tpu.memory_space<vmem>>
        %dma_start3A_135 = arith.constant 0 : i32
        %dma_start3A_136 = arith.constant 0 : i32
        %dma_start3A_137 = tpu.memref_slice %arg5[%dma_start3A_135, %dma_start3A_136] : memref<10000x128xf32, #tpu.memory_space<vmem_shared>> -> memref<10000x128xf32, #tpu.memory_space<vmem_shared>>
        tpu.enqueue_indirect_dma source(%dma_start3A_137 : memref<10000x128xf32, #tpu.memory_space<vmem_shared>>) target(%arg7 : memref<128x128xf32, #tpu.memory_space<vmem>>) offsets(%dma_start3A_134 : memref<128xi32, #tpu.memory_space<vmem>>) semaphore(%arg9 : memref<!tpu.dma_semaphore, #tpu.memory_space<semaphore_mem>>)
      } else {
      }
      %dma_wait3A_112 = arith.constant 0 : i32
      %dma_wait3A_113 = tpu.memref_slice %arg6[%dma_wait3A_112] : memref<10240xi32, #tpu.memory_space<vmem>> -> memref<128xi32, #tpu.memory_space<vmem>>
      %dma_wait3A_114 = arith.constant 0 : i32
      %dma_wait3A_115 = arith.constant 0 : i32
      %dma_wait3A_116 = tpu.memref_slice %arg5[%dma_wait3A_114, %dma_wait3A_115] : memref<10000x128xf32, #tpu.memory_space<vmem_shared>> -> memref<10000x128xf32, #tpu.memory_space<vmem_shared>>
      tpu.wait_indirect_dma semaphore(%arg10 : memref<!tpu.dma_semaphore, #tpu.memory_space<semaphore_mem>>) src(%dma_wait3A_116 : memref<10000x128xf32, #tpu.memory_space<vmem_shared>>) dst(%arg8 : memref<128x128xf32, #tpu.memory_space<vmem>>)
      %add3A_117 = arith.constant 1 : i32
      %add3A_118 = arith.addi %mul3A_82, %add3A_117 : i32
      %lt3A_119 = arith.constant 78 : i32
      %lt3A_120 = arith.cmpi slt, %add3A_118, %lt3A_119 : i32
      %convert_element_type3A_121 = arith.extui %lt3A_120 : i1 to i32
      %cond3A_122 = arith.constant 0 : i32
      %cond3A_123 = arith.cmpi ne, %convert_element_type3A_121, %cond3A_122 : i32
      scf.if %cond3A_123 {
        %mul3A_130 = arith.constant 128 : i32
        %mul3A_131 = arith.muli %add3A_118, %mul3A_130 : i32
        %add3A_132 = arith.addi %mul3A_2, %mul3A_131 : i32
        "tpu.region"() ({
          %run_scoped3A = tpu.sem_alloc : memref<!tpu.dma_semaphore, #tpu.memory_space<semaphore_mem>>
          %dma_start3A_133 = arith.constant 0 : i32
          %dma_start3A_134 = tpu.memref_slice %arg4[%add3A_132, %dma_start3A_133] : memref<320000x128xf32, #tpu.memory_space<hbm>> -> memref<128x128xf32, #tpu.memory_space<hbm>>
          %dma_start3A_135 = arith.constant 0 : i32
          %dma_start3A_136 = tpu.memref_slice %arg4[%add3A_132, %dma_start3A_135] : memref<320000x128xf32, #tpu.memory_space<hbm>> -> memref<128x128xf32, #tpu.memory_space<hbm>>
          tpu.enqueue_dma source(%arg8 : memref<128x128xf32, #tpu.memory_space<vmem>>) target(%dma_start3A_136 : memref<128x128xf32, #tpu.memory_space<hbm>>) target_semaphore(%run_scoped3A : memref<!tpu.dma_semaphore, #tpu.memory_space<semaphore_mem>>)
          %dma_wait3A_137 = arith.constant 0 : i32
          %dma_wait3A_138 = tpu.memref_slice %arg4[%add3A_132, %dma_wait3A_137] : memref<320000x128xf32, #tpu.memory_space<hbm>> -> memref<128x128xf32, #tpu.memory_space<hbm>>
          %dma_wait3A_139 = arith.constant 0 : i32
          %dma_wait3A_140 = tpu.memref_slice %arg4[%add3A_132, %dma_wait3A_139] : memref<320000x128xf32, #tpu.memory_space<hbm>> -> memref<128x128xf32, #tpu.memory_space<hbm>>
          tpu.wait_dma2 semaphore(%run_scoped3A : memref<!tpu.dma_semaphore, #tpu.memory_space<semaphore_mem>>) src(%arg8 : memref<128x128xf32, #tpu.memory_space<vmem>>) dst(%dma_wait3A_140 : memref<128x128xf32, #tpu.memory_space<hbm>>)
          tpu.yield
        }) : () -> ()
      } else {
      }
      %eq3A_124 = arith.constant 78 : i32
      %eq3A_125 = arith.cmpi eq, %add3A_118, %eq3A_124 : i32
      %convert_element_type3A_126 = arith.extui %eq3A_125 : i1 to i32
      %cond3A_127 = arith.constant 0 : i32
      %cond3A_128 = arith.cmpi ne, %convert_element_type3A_126, %cond3A_127 : i32
      scf.if %cond3A_128 {
        %add3A_130 = arith.constant 9984 : i32
        %add3A_131 = arith.addi %mul3A_2, %add3A_130 : i32
        "tpu.region"() ({
          %run_scoped3A = tpu.sem_alloc : memref<!tpu.dma_semaphore, #tpu.memory_space<semaphore_mem>>
          %dma_start3A_132 = arith.constant 0 : i32
          %dma_start3A_133 = arith.constant 0 : i32
          %dma_start3A_134 = tpu.memref_slice %arg8[%dma_start3A_132, %dma_start3A_133] : memref<128x128xf32, #tpu.memory_space<vmem>> -> memref<16x128xf32, #tpu.memory_space<vmem>>
          %dma_start3A_135 = arith.constant 0 : i32
          %dma_start3A_136 = tpu.memref_slice %arg4[%add3A_131, %dma_start3A_135] : memref<320000x128xf32, #tpu.memory_space<hbm>> -> memref<16x128xf32, #tpu.memory_space<hbm>>
          %dma_start3A_137 = arith.constant 0 : i32
          %dma_start3A_138 = tpu.memref_slice %arg4[%add3A_131, %dma_start3A_137] : memref<320000x128xf32, #tpu.memory_space<hbm>> -> memref<16x128xf32, #tpu.memory_space<hbm>>
          %dma_start3A_139 = arith.constant 0 : i32
          %dma_start3A_140 = arith.constant 0 : i32
          %dma_start3A_141 = tpu.memref_slice %arg8[%dma_start3A_139, %dma_start3A_140] : memref<128x128xf32, #tpu.memory_space<vmem>> -> memref<16x128xf32, #tpu.memory_space<vmem>>
          tpu.enqueue_dma source(%dma_start3A_141 : memref<16x128xf32, #tpu.memory_space<vmem>>) target(%dma_start3A_138 : memref<16x128xf32, #tpu.memory_space<hbm>>) target_semaphore(%run_scoped3A : memref<!tpu.dma_semaphore, #tpu.memory_space<semaphore_mem>>)
          %dma_wait3A_142 = arith.constant 0 : i32
          %dma_wait3A_143 = arith.constant 0 : i32
          %dma_wait3A_144 = tpu.memref_slice %arg8[%dma_wait3A_142, %dma_wait3A_143] : memref<128x128xf32, #tpu.memory_space<vmem>> -> memref<16x128xf32, #tpu.memory_space<vmem>>
          %dma_wait3A_145 = arith.constant 0 : i32
          %dma_wait3A_146 = tpu.memref_slice %arg4[%add3A_131, %dma_wait3A_145] : memref<320000x128xf32, #tpu.memory_space<hbm>> -> memref<16x128xf32, #tpu.memory_space<hbm>>
          %dma_wait3A_147 = arith.constant 0 : i32
          %dma_wait3A_148 = tpu.memref_slice %arg4[%add3A_131, %dma_wait3A_147] : memref<320000x128xf32, #tpu.memory_space<hbm>> -> memref<16x128xf32, #tpu.memory_space<hbm>>
          %dma_wait3A_149 = arith.constant 0 : i32
          %dma_wait3A_150 = arith.constant 0 : i32
          %dma_wait3A_151 = tpu.memref_slice %arg8[%dma_wait3A_149, %dma_wait3A_150] : memref<128x128xf32, #tpu.memory_space<vmem>> -> memref<16x128xf32, #tpu.memory_space<vmem>>
          tpu.wait_dma2 semaphore(%run_scoped3A : memref<!tpu.dma_semaphore, #tpu.memory_space<semaphore_mem>>) src(%dma_wait3A_151 : memref<16x128xf32, #tpu.memory_space<vmem>>) dst(%dma_wait3A_148 : memref<16x128xf32, #tpu.memory_space<hbm>>)
          tpu.yield
        }) : () -> ()
      } else {
      }
      %scan3A_129 = arith.constant 0 : i32
      scf.yield %scan3A_129 : i32
    }
    %scan3A_78 = arith.constant 40 : i32
    return
  }
}

</mosaic_0001>

<sc_bundles>
// kernel: _pix_gather.3.cloned.1.call-start
scs
__scs_entry_jumppad:
0x0: {  	(pc) =	sbr.rel $0x88, $3  }
0x1: {  	(tag) =	ssettag $0x0;
	lr =	simm.s32 $0x1  }
0x2: {  	[smem:$0x3F9F] =	sst lr;
	_ =	strace $0xD0000000  }
0x3: {  	_ = 	snop  }
0x4: {  	_ = 	snop  }
0x5: {  	_ = 	snop  }
0x6: {  	_ = 	snop  }
0x7: {  	_ = 	snop  }
__scs_overlays_trampoline_lowered:
0x8: {  	[smem:$0x3FAE] =	sst s0  }
0x9: {  	[smem:$0x3FAF] =	sst s1  }
0xa: {  	[smem:$0x3FB0] =	sst s2  }
0xb: {  	[smem:$0x3FB1] =	sst s3  }
0xc: {  	[smem:$0x3FB2] =	sst s4  }
0xd: {  	[smem:$0x3FB3] =	sst s5  }
0xe: {  	[smem:$0x3FB4] =	sst s6  }
0xf: {  	[smem:$0x3FB5] =	sst s7  }
0x10: {  	[smem:$0x3FB6] =	sst s8  }
0x11: {  	[smem:$0x3FB7] =	sst s9;
	s0 =	simm.s32 @!p0 $0x0  }
0x12: {  	s1 =	sld [smem:$0x3F9D];
	s0 =	simm.s32 @p0 $0x1  }
0x13: {  	[smem:$0x3FB8] =	sst s0;
	s0 =	simm.s32 @!p1 $0x0  }
0x14: {  	s2 =	sld [smem:$0x3F9C];
	s0 =	simm.s32 @p1 $0x1  }
0x15: {  	[smem:$0x3FB9] =	sst s0;
	s0 =	simm.s32 @!p2 $0x0  }
0x16: {  	s3 =	sld [smem:$0x3FDB];
	s0 =	simm.s32 @p2 $0x1  }
0x17: {  	s4 =	simm.s32 $0x1BF5;
	[smem:$0x3FBB] =	sst s0  }
0x18: {  	s0 =	sld [smem:$0x3F9E];
	_ =	swait.ge [sflag:s4], $0x0  }
0x19: {  	s7 =	sld [smem:$0x3F9F]  }
0x1a: {  	s8 =	sadd.s32 $0xFFFFE003, lr  }
0x1b: {  	s9 =	sadd.s32 $0xFFFFFEF7, lr;
	s5 =	simm.s32 $0xFFFFFFFF;
	p2 =	slt.u32 s8, $0xFFFFF086  }
0x1c: {  	p1 =	slt.u32 s9, $0xF7A;
	s5 =	simm.s32 @!p2 $0x0  }
0x1d: {  	s5 =	simm.s32 @p1 $0x1;
	p0 =	seq.s32 s7, s2  }
0x1e: {  	s7 =	smul.u32 @!p0 $0xF7A, s2;
	p2 =	seq.s32 @!p0 s5, $0x0  }
0x1f: {  	s9 =	smul.u32 $0xF7A, s1;
	s8 =	simm.s32 @!p0 $0x1BF5;
	p2 =	por !p2, p0  }
0x20: {  	[sflag:s8] =	ssyncset.s32 @!p0 $0xFFFFF086;
	s6 =	sadd.s32 @!p0 s3, s7;
	s7 =	simm.s32 @!p0 $0x108  }
0x21: {  	s3 =	sadd.s32 s3, s9;
	s6 =	sadd.s32 @!p0 $0x88, s6;
	s7 =	simm.s32 @p2 $0x1082  }
0x22: {  	[simem:s7], [sflag:s8] =	dma.local @!p0 [hbm:s6], $0xF7A  }
0x23: {  	s9 =	sor.u32 $0xD0000000, s2;
	s6 =	simm.s32 $0x108;
	_ =	swait.ge @!p0 [sflag:s8], $0x0  }
0x24: {  	s3 =	sadd.s32 $0x88, s3;
	s6 =	simm.s32 @!p1 $0x1082;
	[sflag:s4] =	ssyncset.s32 $0xFFFFF086  }
0x25: {  	[simem:s6], [sflag:s4] =	dma.local [hbm:s3], $0xF7A  }
0x26: {  	[smem:$0x3F9F] =	sst s1;
	(tag) =	ssettag s2;
	_ =	strace s9  }
0x27: {  	s1 =	sld [smem:$0x3FAF]  }
0x28: {  	s2 =	sld [smem:$0x3FB0]  }
0x29: {  	s4 =	sld [smem:$0x3FB2]  }
0x2a: {  	p0 =	seq.s32 s5, $0x0;
	s5 =	sld [smem:$0x3FB3]  }
0x2b: {  	s6 =	sld [smem:$0x3FB4]  }
0x2c: {  	s7 =	sld [smem:$0x3FB5]  }
0x2d: {  	s3 =	simm.s32 $0x108;
	s8 =	sld [smem:$0x3FB6]  }
0x2e: {  	s3 =	simm.s32 @!p0 $0x1082;
	s9 =	sld [smem:$0x3FB7]  }
0x2f: {  	lr =	sadd.s32 s0, s3;
	s0 =	sld [smem:$0x3FAE]  }
0x30: {  	s3 =	sld [smem:$0x3FB1]  }
0x31: {  	[smem:$0x3FBA] =	sst s10  }
0x32: {  	s10 =	sld [smem:$0x3FB8];
	_ =	sdelay $0x3  }
0x33: {  	p0 =	seq.s32 s10, $0x1;
	s10 =	sld [smem:$0x3FBA];
	_ =	sdelay $0x3  }
0x34: {  	[smem:$0x3FBA] =	sst s10  }
0x35: {  	s10 =	sld [smem:$0x3FB9];
	_ =	sdelay $0x3  }
0x36: {  	p1 =	seq.s32 s10, $0x1;
	s10 =	sld [smem:$0x3FBA];
	_ =	sdelay $0x3  }
0x37: {  	[smem:$0x3FBA] =	sst s10  }
0x38: {  	s10 =	sld [smem:$0x3FBB]  }
0x39: {  	_ = 	snop;
	(pc) =	sbr.ind lr, $3  }
0x3a: {  	_ = 	snop  }
0x3b: {  	_ = 	snop  }
0x3c: {  	p2 =	seq.s32 s10, $0x1;
	s10 =	sld [smem:$0x3FBA]  }
0x3d: {  	_ =	shalt  }
0x3e: {  	_ =	shalt  }
0x3f: {  	_ =	shalt  }
0x40: {  	_ =	shalt  }
0x41: {  	_ =	shalt  }
0x42: {  	_ =	shalt  }
0x43: {  	_ =	shalt  }
0x44: {  	_ =	shalt  }
0x45: {  	_ =	shalt  }
0x46: {  	_ =	shalt  }
0x47: {  	_ =	shalt  }
0x48: {  	_ =	shalt  }
0x49: {  	_ =	shalt  }
0x4a: {  	_ =	shalt  }
0x4b: {  	_ =	shalt  }
0x4c: {  	_ =	shalt  }
0x4d: {  	_ =	shalt  }
0x4e: {  	_ =	shalt  }
0x4f: {  	_ =	shalt  }
0x50: {  	_ =	shalt  }
0x51: {  	_ =	shalt  }
0x52: {  	_ =	shalt  }
0x53: {  	_ =	shalt  }
0x54: {  	_ =	shalt  }
0x55: {  	_ =	shalt  }
0x56: {  	_ =	shalt  }
0x57: {  	_ =	shalt  }
0x58: {  	_ =	shalt  }
0x59: {  	_ =	shalt  }
0x5a: {  	_ =	shalt  }
0x5b: {  	_ =	shalt  }
0x5c: {  	_ =	shalt  }
0x5d: {  	_ =	shalt  }
0x5e: {  	_ =	shalt  }
0x5f: {  	_ =	shalt  }
0x60: {  	_ =	shalt  }
0x61: {  	_ =	shalt  }
0x62: {  	_ =	shalt  }
0x63: {  	_ =	shalt  }
0x64: {  	_ =	shalt  }
0x65: {  	_ =	shalt  }
0x66: {  	_ =	shalt  }
0x67: {  	_ =	shalt  }
0x68: {  	_ =	shalt  }
0x69: {  	_ =	shalt  }
0x6a: {  	_ =	shalt  }
0x6b: {  	_ =	shalt  }
0x6c: {  	_ =	shalt  }
0x6d: {  	_ =	shalt  }
0x6e: {  	_ =	shalt  }
0x6f: {  	_ =	shalt  }
0x70: {  	_ =	shalt  }
0x71: {  	_ =	shalt  }
0x72: {  	_ =	shalt  }
0x73: {  	_ =	shalt  }
0x74: {  	_ =	shalt  }
0x75: {  	_ =	shalt  }
0x76: {  	_ =	shalt  }
0x77: {  	_ =	shalt  }
0x78: {  	_ =	shalt  }
0x79: {  	_ =	shalt  }
0x7a: {  	_ =	shalt  }
0x7b: {  	_ =	shalt  }
0x7c: {  	_ =	shalt  }
0x7d: {  	_ =	shalt  }
0x7e: {  	_ =	shalt  }
0x7f: {  	_ =	shalt  }
0x80: {  	_ =	shalt  }
0x81: {  	_ =	shalt  }
0x82: {  	_ =	shalt  }
0x83: {  	_ =	shalt  }
0x84: {  	_ =	shalt  }
0x85: {  	_ =	shalt  }
0x86: {  	_ =	shalt  }
0x87: {  	_ =	shalt  }
.Lfunc_end0:
.L_simem_size_0:
called_computation_lowered:
.L_overlay_start_0:
0x88: {  	s2 =	sld [smem:$0x3FD9]  }
0x89: {  	s3 =	sld [smem:$0x3FFE];
	_ =	sdelay $0x1  }
0x8a: {  	s1 =	srdreg.scid  }
0x8b: {  	s0 =	sand.u32 $0x1, s1  }
0x8c: {  	s18 =	sshll.u32 s0, $0xA;
	s2 =	sadd.s32 s3, s2  }
0x8d: {  	s2 =	sadd.s32 s2, s18  }
0x8e: {  	[smem:$0x3FC6] =	sst s2  }
0x8f: {  	_ = 	snop  }
0x90: {  	s2 =	sld [smem:$0x3FC9]  }
0x91: {  	s19 =	sld [smem:$0x3FC8]  }
0x92: {  	s4 =	sld [smem:$0x3FD0];
	(tm) =	ssettm $0x1  }
0x93: {  	s5 =	sld [smem:$0x3FFB];
	_ =	sdelay $0x3  }
0x94: {  	_ =	strace s5  }
0x95: {  	s5 =	sld [smem:$0x3FFC];
	_ =	sdelay $0x3  }
0x96: {  	_ =	strace s5  }
0x97: {  	s5 =	sld [smem:$0x3FFD];
	_ =	sdelay $0x3  }
0x98: {  	_ =	strace s5  }
0x99: {  	_ =	strace $0x8FFFFFFF  }
0x9a: {  	s20 =	sld [smem:$0x3FDB];
	_ =	sdelay $0x1  }
0x9b: {  	s6 =	simm.s32 $_scs_section_size  }
0x9c: {  	s7 =	simm.s32 $_size__tile_overlayer_lowered;
	s8 =	simm.s32 $_tile_overlayer_lowered  }
0x9d: {  	s23 =	simm.s32 $0x1BFF;
	s22 =	sshll.u32 s8, $0x1;
	s5 =	sadd.s32 s6, s20  }
0x9e: {  	s9 =	simm.s32 $0x0;
	s21 =	sshll.u32 s7, $0x1;
	s7 =	sadd.s32 s22, s5  }
0x9f: {  	[timem:s9], [sflag:s23] =	dma.local [hbm:s7], s21  }
0xa0: {  	_ =	swait.ge [sflag:s23], s21  }
0xa1: {  	s6 =	ssub.s32 $0x0, s21;
	[sflag:s23] =	ssyncset.done $0x0  }
0xa2: {  	[sflag:s23] =	ssyncadd.s32 s6;
	_ =	sdelay $0x1  }
0xa3: {  	s24 =	simm.s32 $0x1B8B  }
0xa4: {  	_ =	swait.ge [sflag:s24], $0x1  }
0xa5: {  	[sflag:s24] =	ssyncset.done $0x0  }
0xa6: {  	s25 =	simm.s32 $0x1B8E;
	[sflag:s24] =	ssyncadd.s32 $0xFFFFFFFF  }
0xa7: {  	s26 =	simm.s32 $execute0_lowered;
	[smem:$0x3FD2] =	sst s25  }
0xa8: {  	s6 =	sshll.u32 s26, $0x1;
	_ =	strace $0x80000046;
	[dreg:$0x1] =	wrdreg $0xFFFFFFFF  }
0xa9: {  	s28 =	simm.s32 $_size_execute0_lowered;
	s5 =	sadd.s32 s5, s6;
	[dreg:$0x0] =	wrdreg $0x0  }
0xaa: {  	s6 =	sshll.u32 s28, $0x1;
	[dreg:$0x2] =	wrdreg s5  }
0xab: {  	[dreg:$0x3] =	wrdreg s6  }
0xac: {  	[dreg:$0x4] =	wrdreg $0xC0  }
0xad: {  	_ =	task [dreg:s9], $0x5FFFF  }
0xae: {  	[dreg:$0x1] =	wrdreg $0xFFFFFFFF  }
0xaf: {  	[dreg:$0x0] =	wrdreg $0x60  }
0xb0: {  	[dreg:$0x2] =	wrdreg s2  }
0xb1: {  	[dreg:$0x3] =	wrdreg s19  }
0xb2: {  	[dreg:$0x4] =	wrdreg s4  }
0xb3: {  	[dreg:$0x5] =	wrdreg $0x0  }
0xb4: {  	[dreg:$0x6] =	wrdreg $0x9  }
0xb5: {  	_ =	task.clear_ibuf [dreg:s9], $0x7FFFF;
	_ =	strace $0x90000046  }
0xb6: {  	s29 =	simm.s32 $0x9;
	_ =	strace $0x80000048  }
0xb7: {  	_ =	swait.ge [sflag:s29], $0x1  }
0xb8: {  	[sflag:s29] =	ssyncadd.s32 $0xFFFFFFFF  }
0xb9: {  	_ =	strace $0x90000048  }
0xba: {  	_ =	sfence  }
0xbb: {  	s30 =	sld [smem:$0x0];
	_ =	sdelay $0x2  }
0xbc: {  	s31 =	sshll.u32 s1, $0xD;
	s1 =	sshrl.u32 s1, $0x2  }
0xbd: {  	s3 =	sand.u32 $0x4000, s31;
	s1 =	sadd.s32 s1, s30  }
0xbe: {  	s0 =	sor.u32 s3, s0;
	s1 =	sshll.u32 s1, $0x11  }
0xbf: {  	s0 =	sor.u32 s1, s0  }
0xc0: {  	s0 =	sadd.s32 $0x8F2B, s0  }
0xc1: {  	[sflag:s0] =	ssyncadd.remote.s32 $0x1  }
0xc2: {  	_ =	sfence.sel $0xFFFF  }
0xc3: {  	[dreg:$0x0] =	wrdreg $0xFFFFFFFF;
	(pc) =	sbr.abs _section_cstart, $3  }
0xc4: {  	[dreg:$0x1] =	wrdreg $0xFFFFFFFF  }
0xc5: {  	_ =	task.clear_ibuf [dreg:s9], $0x2FFFF;
	_ =	strace $0x9FFFFFFF  }
0xc6: {  	(tm) =	ssettm $0x7FFFFFFF  }
0xc7: {  	_ =	shalt  }
tec
execute0_lowered:
.L_overlay_start_1:
0x0: {  	(tag) =	ssettag $0x1  }
0x1: {  	s6 =	rddreg [dreg:$0x0]  }
0x2: {  	s5 =	rddreg [dreg:$0x1]  }
0x3: {  	s10 =	rddreg [dreg:$0x2]  }
0x4: {  	s1 =	rddreg [dreg:$0x3]  }
0x5: {  	s0 =	rddreg [dreg:$0x4];
	s3 =	simm.s32 $0x0;
	s4 =	srdreg.scid  }
0x6: {  	s2 =	stileid.u32;
	s17 =	simm.s32 $0x16080;
	s18 =	simm.s32 $0x1A080  }
0x7: {  	s19 =	simm.s32 $0x1;
	s20 =	simm.s32 $0x4;
	s21 =	simm.s32 $0x2  }
0x8: {  	s22 =	simm.s32 $0x16000;
	s23 =	simm.s32 $0x0;
	s9 =	smul.u32 $0x9C000, s2  }
0x9: {  	[smem:$0x7FF] =	sst s3;
	s7 =	sand.u32 $0x1, s4;
	s12 =	smul.u32 $0x4E00, s2  }
0xa: {  	s8 =	sshll.u32 s2, $0x1;
	s14 =	sadd.s32 $0x111000, s1;
	s15 =	smul.u32 $0x271000, s2  }
0xb: {  	p0 =	sgt.u32 s2, $0x6;
	s8 =	sor.u32 s7, s8;
	s26 =	smul.u32 $0x138800, s7  }
0xc: {  	s4 =	ssub.s32 $0x2, s7;
	_ =	strace $0x80000047;
	s13 =	smul.u32 $0x138800, s8  }
0xd: {  	p1 =	sne.s32 @p0 s2, $0x7;
	s11 =	sshrl.u32 s4, $0x1;
	s8 =	smul.u32 $0x4E2, s8  }
0xe: {  	s9 =	sshrl.u32 s9, $0x2;
	p1 =	por p1, !p0;
	s11 =	ssub.s32 s4, s11  }
0xf: {  	s4 =	sadd.s32 $0x22200, s5;
	s16 =	sadd.s32 s9, s1;
	s5 =	sadd.s32 s5, s12  }
0x10: {  	s28 =	sadd.s32 s26, s15;
	s12 =	sshll.u32 @!p0 s2, $0x6;
	s15 =	simm.s32 $0x3  }
0x11: {  	s13 =	sshrl.u32 s13, $0x3;
	s6 =	sadd.s32 s6, s8;
	s8 =	smax.u32 s11, $0x1  }
0x12: {  	s29 =	sshrl.u32 s28, $0x3;
	s30 =	sadd.s32 $0x4000, s28;
	s11 =	sshrl.u32 @!p1 s14, $0x3  }
0x13: {  	s12 =	sor.u32 @!p0 $0x1C03, s12;
	s14 =	simm.s32 $0x13880;
	s25 =	sadd.s32 s10, s13  }
0x14: {  	s9 =	sadd.s32 s29, s10;
	s31 =	sshrl.u32 s30, $0x3;
	s13 =	sshrl.u32 @!p0 s16, $0x3  }
0x15: {  	v0 =	vimm.s32 $0x0;
	s16 =	simm.s32 $0x80;
	s7 =	sadd.s32 $0x27000, s25;
	s10 =	sadd.s32 s31, s10  }
.LBB2_1:
0x16: {  	s24 =	simm.s32 @!p1 $0x1DC3  }
0x17: {  	[spmem:s11], [sflag:s24] =	dma.local @!p1 [hbm:s4], $0x4F00  }
0x18: {  	s24 =	simm.s32 @!p1 $0x3  }
0x19: {  	_ =	swait.ge @!p1 [sflag:s24], $0x4F00  }
0x1a: {  	[sflag:s24] =	ssyncset.done @!p1 $0x0  }
0x1b: {  	[sflag:s24] =	ssyncadd.s32 @!p1 $0xFFFFB100;
	s24 =	simm.s32 @!p0 $0x3  }
0x1c: {  	[spmem:s13], [sflag:s12] =	dma.local @!p0 [hbm:s5], $0x4E00  }
0x1d: {  	_ =	swait.ge @!p0 [sflag:s24], $0x4E00  }
0x1e: {  	[sflag:s24] =	ssyncset.done @!p0 $0x0  }
0x1f: {  	[sflag:s24] =	ssyncadd.s32 @!p0 $0xFFFFB200  }
0x20: {  	[tilespmem:s14], [sflag:$0x3] =	stream.linear.gather [hbm4b:s6+s3], $0x2710, $0x38;
	[tilespmem:$0x1E080] =	vst v63  }
0x21: {  	_ =	swait.ge [sflag:s15], $0x2710  }
0x22: {  	[sflag:s15] =	ssyncset.done $0x0  }
0x23: {  	[sflag:s15] =	ssyncadd.s32 $0xFFFFD8F0  }
0x24: {  	[tilespmem:$0x15F90] =	vst v0  }
0x25: {  	[tilespmem:$0x15FA0] =	vst v0  }
0x26: {  	[tilespmem:$0x15FB0] =	vst v0  }
0x27: {  	[tilespmem:$0x15FC0] =	vst v0  }
0x28: {  	[tilespmem:$0x15FD0] =	vst v0  }
0x29: {  	[tilespmem:$0x15FE0] =	vst v0  }
0x2a: {  	[tilespmem:$0x15FF0] =	vst v0  }
0x2b: {  	[tilespmem:$0x16000] =	vst v0  }
0x2c: {  	[tilespmem:$0x16010] =	vst v0  }
0x2d: {  	[tilespmem:$0x16020] =	vst v0  }
0x2e: {  	[tilespmem:$0x16030] =	vst v0  }
0x2f: {  	[tilespmem:$0x16040] =	vst v0  }
0x30: {  	[tilespmem:$0x16050] =	vst v0  }
0x31: {  	[tilespmem:$0x16060] =	vst v0  }
0x32: {  	[tilespmem:$0x16070] =	vst v0  }
0x33: {  	[bflag:$0x0] =	sbarrier.arrive $0xFFFF  }
0x34: {  	[tilespmem:s17], [sflag:$0x1] =	stream.indirect.gather [spmem:s1], $0x80, s14, s16, $0xb8;
	[tilespmem:$0x1E080] =	vst v63  }
0x35: {  	s24 =	simm.s32 $0x13900  }
0x36: {  	[tilespmem:s18], [sflag:$0x2] =	stream.indirect.gather [spmem:s1], $0x80, s24, s16, $0xb8;
	[tilespmem:$0x1E080] =	vst v63  }
0x37: {  	_ =	swait.ge [sflag:s19], $0x4000  }
0x38: {  	[sflag:s19] =	ssyncset.done $0x0  }
0x39: {  	s25 =	sadd.s32 $0x0, s9;
	[sflag:s19] =	ssyncadd.s32 $0xFFFFC000  }
0x3a: {  	[hbm4b:s25+s3] =	stream.linear.scatter [tilespmem:s17], [sflag:$0x4], $0x4000, $0x38;
	[tilespmem:$0x1E080] =	vst v63  }
0x3b: {  	_ =	swait.ge [sflag:s20], $0x4000  }
0x3c: {  	[sflag:s20] =	ssyncset.done $0x0  }
0x3d: {  	s30 =	simm.s32 $0x13980;
	[sflag:s20] =	ssyncadd.s32 $0xFFFFC000  }
0x3e: {  	[tilespmem:s17], [sflag:$0x1] =	stream.indirect.gather [spmem:s1], $0x80, s30, s16, $0xb8;
	[tilespmem:$0x1E080] =	vst v63  }
0x3f: {  	_ =	swait.ge [sflag:s21], $0x4000  }
0x40: {  	[sflag:s21] =	ssyncset.done $0x0  }
0x41: {  	s31 =	sadd.s32 $0x0, s10;
	[sflag:s21] =	ssyncadd.s32 $0xFFFFC000  }
0x42: {  	[hbm4b:s31+s3] =	stream.linear.scatter [tilespmem:s18], [sflag:$0x4], $0x4000, $0x38;
	[tilespmem:$0x1E080] =	vst v63  }
0x43: {  	_ =	swait.ge [sflag:s20], $0x4000  }
0x44: {  	s25 =	simm.s32 $0x1000;
	[sflag:s20] =	ssyncset.done $0x0  }
.LBB2_2:
0x45: {  	p2 =	sne.s32 s25, $0x26000;
	[sflag:s20] =	ssyncadd.s32 $0xFFFFC000;
	s24 =	sadd.s32 $0x100, s24  }
0x46: {  	[tilespmem:s18], [sflag:$0x2] =	stream.indirect.gather [spmem:s1], $0x80, s24, s16, $0xb8;
	[tilespmem:$0x1E080] =	vst v63  }
0x47: {  	s26 =	smov.u32 s25;
	s25 =	sadd.s32 $0x1000, s25;
	_ =	swait.ge [sflag:s19], $0x4000  }
0x48: {  	[sflag:s19] =	ssyncset.done $0x0  }
0x49: {  	s28 =	sadd.s32 s26, s9;
	[sflag:s19] =	ssyncadd.s32 $0xFFFFC000  }
0x4a: {  	[hbm4b:s28+s3] =	stream.linear.scatter [tilespmem:s17], [sflag:$0x4], $0x4000, $0x38;
	[tilespmem:$0x1E080] =	vst v63  }
0x4b: {  	_ =	swait.ge [sflag:s20], $0x4000  }
0x4c: {  	[sflag:s20] =	ssyncset.done $0x0  }
0x4d: {  	s28 =	sadd.s32 $0x80, s24;
	[sflag:s20] =	ssyncadd.s32 $0xFFFFC000  }
0x4e: {  	[tilespmem:s17], [sflag:$0x1] =	stream.indirect.gather [spmem:s1], $0x80, s28, s16, $0xb8;
	[tilespmem:$0x1E080] =	vst v63  }
0x4f: {  	_ =	swait.ge [sflag:s21], $0x4000  }
.Ltmp0:
0x50: {  	[sflag:s21] =	ssyncset.done $0x0;
	(pc) =	sbr.rel @p2 .LBB2_2-.Ltmp0, $4  }
0x51: {  	s26 =	sadd.s32 s26, s10;
	[sflag:s21] =	ssyncadd.s32 $0xFFFFC000  }
0x52: {  	[hbm4b:s26+s3] =	stream.linear.scatter [tilespmem:s18], [sflag:$0x4], $0x4000, $0x38;
	[tilespmem:$0x1E080] =	vst v63  }
0x53: {  	_ =	swait.ge [sflag:s20], $0x4000  }
0x54: {  	[sflag:s20] =	ssyncset.done $0x0  }
0x55: {  	[sflag:s20] =	ssyncadd.s32 $0xFFFFC000  }
0x56: {  	[tilespmem:s18], [sflag:$0x2] =	stream.indirect.gather [spmem:s1], $0x80, s22, s16, $0xb8;
	[tilespmem:$0x1E080] =	vst v63  }
0x57: {  	_ =	swait.ge [sflag:s19], $0x4000  }
0x58: {  	[sflag:s19] =	ssyncset.done $0x0  }
0x59: {  	s23 =	sadd.s32 $0x1, s23;
	[sflag:s19] =	ssyncadd.s32 $0xFFFFC000  }
0x5a: {  	[hbm4b:s7+s3] =	stream.linear.scatter [tilespmem:s17], [sflag:$0x4], $0x800, $0x38;
	[tilespmem:$0x1E080] =	vst v63  }
0x5b: {  	p2 =	sne.s32 s23, s8;
	_ =	swait.ge [sflag:s20], $0x800  }
.Ltmp1:
0x5c: {  	[sflag:s20] =	ssyncset.done $0x0;
	(pc) =	sbr.rel @p2 .LBB2_1-.Ltmp1, $4  }
0x5d: {  	[sflag:s20] =	ssyncadd.s32 $0xFFFFF800  }
0x5e: {  	_ =	swait.ge [sflag:s21], $0x4000  }
0x5f: {  	[sflag:s21] =	ssyncset.done $0x0  }
0x60: {  	[sflag:s21] =	ssyncadd.s32 $0xFFFFC000  }
0x61: {  	_ =	sfence.sel $0x180000  }
0x62: {  	[bflag:$0x0] =	sbarrier.arrive $0xFFFF  }
0x63: {  	p0 =	sne.s32 s2, $0x0;
	_ =	strace $0x90000047  }
0x64: {  	s0 =	sadd.s32 @!p0 $0x100000, s0;
	[bflag:$0x2] =	sbarrier.arrive $0xFFFF  }
0x65: {  	[sflag:s0] =	ssyncadd.tile.s32 @!p0 $0x1;
	_ =	shalt  }
.Lfunc_end2:
_tile_overlayer_lowered:
.L_overlay_start_2:
0x66: {  	(tag) =	ssettag $0x2  }
0x67: {  	s0 =	rddreg [dreg:$0x0];
	s2 =	stileid.u32  }
0x68: {  	s1 =	rddreg [dreg:$0x1];
	p0 =	sne.s32 s2, $0x0  }
0x69: {  	s3 =	rddreg [dreg:$0x2];
	[bflag:$0x3] =	sbarrier.arrive $0xFFFF;
	s2 =	simm.s32 @!p0 $0x1C03  }
0x6a: {  	[timem:s3], [sflag:s2] =	dma.local @!p0 [hbm:s0], s1  }
0x6b: {  	s0 =	simm.s32 @!p0 $0x3  }
0x6c: {  	_ =	swait.ge @!p0 [sflag:s0], s1  }
0x6d: {  	s1 =	ssub.s32 @!p0 $0x0, s1;
	[sflag:s0] =	ssyncset.done @!p0 $0x0  }
0x6e: {  	[sflag:s0] =	ssyncadd.s32 @!p0 s1  }
0x6f: {  	[bflag:$0x3] =	sbarrier.arrive $0xFFFF  }
0x70: {  	_ =	shalt  }

</sc_bundles>
